<compile_context>
chip_gen: v7x
topology: tpu7x:2x2x1
jax: 0.10.2.dev20260603
libtpu: 0.0.44.dev20260713+nightly
codegen_flags: <defaults>
</compile_context>

<pallas_src>
import functools

import jax
import jax.numpy as jnp
from jax import lax
from jax.experimental import pallas as pl
from jax.experimental.pallas import tpu as pltpu
from jax.experimental.pallas import tpu_sc as plsc

_NUM_CORES = 2
_NUM_SUBCORES = 16
_NW = _NUM_CORES * _NUM_SUBCORES

_BATCH = 16384
_DIM = 32
_ZONES = 9
_BPW = _BATCH // _NW
_CHUNKS = _BPW // 16


@functools.partial(
    pl.kernel,
    out_type=jax.ShapeDtypeStruct((_DIM, _BATCH), jnp.float32),
    mesh=plsc.VectorSubcoreMesh(
        core_axis_name="c",
        subcore_axis_name="s",
        num_cores=_NUM_CORES,
        num_subcores=_NUM_SUBCORES,
    ),
    scratch_types=[
        pltpu.VMEM((_BPW,), jnp.int32),
        pltpu.VMEM((_ZONES, _DIM), jnp.float32),
        pltpu.VMEM((_DIM, 16), jnp.float32),
        pltpu.VMEM((_DIM, _BPW), jnp.float32),
    ],
    compiler_params=pltpu.CompilerParams(
        needs_layout_passes=False
    ),
)
def _gather_kernel(idx_hbm, table_hbm, out_hbm, idx_v, table_v, ttv, rows_v):
    wid = lax.axis_index("s") * _NUM_CORES + lax.axis_index("c")
    base = wid * _BPW
    pltpu.sync_copy(idx_hbm.at[pl.ds(base, _BPW)], idx_v)
    pltpu.sync_copy(table_hbm, table_v)
    lane = lax.iota(jnp.int32, 16)

    @plsc.parallel_loop(0, _ZONES * (_DIM // 16), 1, unroll=2)
    def setup(t):
        r = t // (_DIM // 16)
        h = t % (_DIM // 16)
        vals = table_v[r, pl.ds(h * 16, 16)]
        plsc.store_scatter(
            ttv, [lane + h * 16, jnp.full((16,), 0, jnp.int32) + r], vals
        )

    @plsc.parallel_loop(0, _CHUNKS // 4, 1, unroll=1)
    def body(i):
        ridx = [idx_v[pl.ds(i * 64 + 16 * k, 16)] for k in range(4)]

        @plsc.parallel_loop(0, _DIM, 1, unroll=4)
        def cols(d):
            tcol = ttv[d]
            for k in range(4):
                rows_v[d, pl.ds(i * 64 + 16 * k, 16)] = tcol.at[ridx[k]].get(
                    mode="promise_in_bounds"
                )

    pltpu.sync_copy(rows_v, out_hbm.at[:, pl.ds(base, _BPW)])


def kernel(zone_idx, embedding_table):
    out_t = _gather_kernel(zone_idx.astype(jnp.int32), embedding_table)
    return out_t.T

# --- scband reference (transcript-rebuilt; emitter-appended) ---
"""Pipeline reference for scband-biogeographic-zone-encoder-24764781428807 (READ-ONLY COPY).

The authoritative reference and input builder live on the scoring server;
editing this copy changes nothing except your own understanding.
"""

import jax, jax.numpy as jnp
import numpy as np

NUM_ZONES = 9
EMBED_DIM = 32
BATCH = 16384

def setup_inputs(seed: int = 0) -> dict:
    key = jax.random.key(seed)
    k_idx, k_tab = jax.random.split(key)
    zone_idx = jax.random.randint(k_idx, (BATCH,), 0, NUM_ZONES, dtype=jnp.int64 if jax.config.jax_enable_x64 else jnp.int32)
    embedding_table = jax.random.normal(k_tab, (NUM_ZONES, EMBED_DIM), dtype=jnp.float32)
    return {"zone_idx": zone_idx, "embedding_table": embedding_table}

def reference(zone_idx, embedding_table):
    # nn.Embedding forward: row gather from the table
    return jnp.take(embedding_table, zone_idx, axis=0)

if __name__ == "__main__":
    import jax
    _d = setup_inputs()
    print(jax.jit(kernel)(*tuple(_d.values())))

</pallas_src>

<mosaic_0001>
#map = affine_map<(d0, d1) -> (0)>
#map1 = affine_map<(d0, d1) -> (0, 0)>
module attributes {stable_mosaic.version = 14 : i64} {
  func.func @_gather_kernel(%arg0: i32, %arg1: i32, %arg2: memref<16384xi32, #tpu.memory_space<hbm>>, %arg3: memref<9x32xf32, #tpu.memory_space<hbm>>, %arg4: memref<32x16384xf32, #tpu.memory_space<hbm>>, %arg5: memref<512xi32, #tpu.memory_space<vmem>>, %arg6: memref<9x32xf32, #tpu.memory_space<vmem>>, %arg7: memref<32x16xf32, #tpu.memory_space<vmem>>, %arg8: memref<32x512xf32, #tpu.memory_space<vmem>>) attributes {dimension_semantics = [#tpu.dimension_semantics<core_parallel>, #tpu.dimension_semantics<subcore_parallel>], iteration_bounds = array<i64: 2, 16>, scalar_prefetch = 0 : i64, scratch_operands = 4 : i64, tpu.core_type = #tpu.core_type<sc_vector_subcore>, window_params = [{transform_indices = #map}, {transform_indices = #map1}, {transform_indices = #map1}]} {
    %mul3A = arith.constant 2 : i32
    %mul3A_0 = arith.muli %arg1, %mul3A : i32
    %add3A = arith.addi %mul3A_0, %arg0 : i32
    %mul3A_1 = arith.constant 512 : i32
    %mul3A_2 = arith.muli %add3A, %mul3A_1 : i32
    "tpu.region"() ({
      %run_scoped3A = tpu.sem_alloc : memref<!tpu.dma_semaphore, #tpu.memory_space<semaphore_mem>>
      %dma_start3A = tpu.memref_slice %arg2[%mul3A_2] : memref<16384xi32, #tpu.memory_space<hbm>> -> memref<512xi32, #tpu.memory_space<hbm>>
      %dma_start3A_8 = tpu.memref_slice %arg2[%mul3A_2] : memref<16384xi32, #tpu.memory_space<hbm>> -> memref<512xi32, #tpu.memory_space<hbm>>
      tpu.enqueue_dma source(%dma_start3A_8 : memref<512xi32, #tpu.memory_space<hbm>>) target(%arg5 : memref<512xi32, #tpu.memory_space<vmem>>) target_semaphore(%run_scoped3A : memref<!tpu.dma_semaphore, #tpu.memory_space<semaphore_mem>>)
      %dma_wait3A = tpu.memref_slice %arg2[%mul3A_2] : memref<16384xi32, #tpu.memory_space<hbm>> -> memref<512xi32, #tpu.memory_space<hbm>>
      %dma_wait3A_9 = tpu.memref_slice %arg2[%mul3A_2] : memref<16384xi32, #tpu.memory_space<hbm>> -> memref<512xi32, #tpu.memory_space<hbm>>
      tpu.wait_dma2 semaphore(%run_scoped3A : memref<!tpu.dma_semaphore, #tpu.memory_space<semaphore_mem>>) src(%dma_wait3A_9 : memref<512xi32, #tpu.memory_space<hbm>>) dst(%arg5 : memref<512xi32, #tpu.memory_space<vmem>>)
      tpu.yield
    }) : () -> ()
    "tpu.region"() ({
      %run_scoped3A = tpu.sem_alloc : memref<!tpu.dma_semaphore, #tpu.memory_space<semaphore_mem>>
      tpu.enqueue_dma source(%arg3 : memref<9x32xf32, #tpu.memory_space<hbm>>) target(%arg6 : memref<9x32xf32, #tpu.memory_space<vmem>>) target_semaphore(%run_scoped3A : memref<!tpu.dma_semaphore, #tpu.memory_space<semaphore_mem>>)
      tpu.wait_dma2 semaphore(%run_scoped3A : memref<!tpu.dma_semaphore, #tpu.memory_space<semaphore_mem>>) src(%arg3 : memref<9x32xf32, #tpu.memory_space<hbm>>) dst(%arg6 : memref<9x32xf32, #tpu.memory_space<vmem>>)
      tpu.yield
    }) : () -> ()
    %iota3A = tpu.iota {dimensions = array<i32: 0>} : vector<16xi32>
    %parallel_loop3A = arith.constant 0 : i32
    %parallel_loop3A_3 = arith.constant 18 : i32
    %parallel_loop3A_4 = arith.constant 1 : i32
    scf.for %parallel_loop3A_8 = %parallel_loop3A to %parallel_loop3A_3 step %parallel_loop3A_4  : i32 {
      %parallel_loop3A_9 = arith.constant 2 : i32
      %parallel_loop3A_10 = arith.divsi %parallel_loop3A_8, %parallel_loop3A_9 : i32
      %parallel_loop3A_11 = arith.constant 0 : i32
      %parallel_loop3A_12 = arith.cmpi sgt, %parallel_loop3A_8, %parallel_loop3A_11 : i32
      %parallel_loop3A_13 = arith.extui %parallel_loop3A_12 : i1 to i32
      %parallel_loop3A_14 = arith.constant 0 : i32
      %parallel_loop3A_15 = arith.cmpi slt, %parallel_loop3A_8, %parallel_loop3A_14 : i32
      %parallel_loop3A_16 = arith.extui %parallel_loop3A_15 : i1 to i32
      %parallel_loop3A_17 = arith.subi %parallel_loop3A_13, %parallel_loop3A_16 : i32
      %parallel_loop3A_18 = arith.constant 0 : i32
      %parallel_loop3A_19 = arith.cmpi sgt, %parallel_loop3A_9, %parallel_loop3A_18 : i32
      %parallel_loop3A_20 = arith.extui %parallel_loop3A_19 : i1 to i32
      %parallel_loop3A_21 = arith.constant 0 : i32
      %parallel_loop3A_22 = arith.cmpi slt, %parallel_loop3A_9, %parallel_loop3A_21 : i32
      %parallel_loop3A_23 = arith.extui %parallel_loop3A_22 : i1 to i32
      %parallel_loop3A_24 = arith.subi %parallel_loop3A_20, %parallel_loop3A_23 : i32
      %parallel_loop3A_25 = arith.cmpi ne, %parallel_loop3A_17, %parallel_loop3A_24 : i32
      %parallel_loop3A_26 = arith.remsi %parallel_loop3A_8, %parallel_loop3A_9 : i32
      %parallel_loop3A_27 = arith.constant 0 : i32
      %parallel_loop3A_28 = arith.cmpi ne, %parallel_loop3A_26, %parallel_loop3A_27 : i32
      %parallel_loop3A_29 = arith.andi %parallel_loop3A_25, %parallel_loop3A_28 : i1
      %parallel_loop3A_30 = arith.constant 1 : i32
      %parallel_loop3A_31 = arith.subi %parallel_loop3A_10, %parallel_loop3A_30 : i32
      %parallel_loop3A_32 = arith.select %parallel_loop3A_29, %parallel_loop3A_31, %parallel_loop3A_10 : i32
      %parallel_loop3A_33 = arith.constant 2 : i32
      %parallel_loop3A_34 = arith.constant 0 : i32
      %parallel_loop3A_35 = arith.cmpi eq, %parallel_loop3A_33, %parallel_loop3A_34 : i32
      %parallel_loop3A_36 = arith.constant 1 : i32
      %parallel_loop3A_37 = arith.select %parallel_loop3A_35, %parallel_loop3A_36, %parallel_loop3A_33 : i32
      %parallel_loop3A_38 = arith.remsi %parallel_loop3A_8, %parallel_loop3A_37 : i32
      %parallel_loop3A_39 = arith.constant 0 : i32
      %parallel_loop3A_40 = arith.cmpi ne, %parallel_loop3A_38, %parallel_loop3A_39 : i32
      %parallel_loop3A_41 = arith.constant 0 : i32
      %parallel_loop3A_42 = arith.cmpi slt, %parallel_loop3A_38, %parallel_loop3A_41 : i32
      %parallel_loop3A_43 = arith.constant 0 : i32
      %parallel_loop3A_44 = arith.cmpi slt, %parallel_loop3A_37, %parallel_loop3A_43 : i32
      %parallel_loop3A_45 = arith.xori %parallel_loop3A_42, %parallel_loop3A_44 : i1
      %parallel_loop3A_46 = arith.andi %parallel_loop3A_45, %parallel_loop3A_40 : i1
      %parallel_loop3A_47 = arith.addi %parallel_loop3A_38, %parallel_loop3A_37 : i32
      %parallel_loop3A_48 = arith.select %parallel_loop3A_46, %parallel_loop3A_47, %parallel_loop3A_38 : i32
      %parallel_loop3A_49 = arith.constant 16 : i32
      %parallel_loop3A_50 = arith.muli %parallel_loop3A_48, %parallel_loop3A_49 : i32
      %parallel_loop3A_51 = arith.index_cast %parallel_loop3A_32 : i32 to index
      %parallel_loop3A_52 = arith.index_cast %parallel_loop3A_50 : i32 to index
      %parallel_loop3A_53 = tpu.vector_load %arg6[%parallel_loop3A_51, %parallel_loop3A_52] {strides = array<i32>} : memref<9x32xf32, #tpu.memory_space<vmem>>, vector<16xf32>,
      %parallel_loop3A_54 = arith.constant 16 : i32
      %parallel_loop3A_55 = arith.muli %parallel_loop3A_48, %parallel_loop3A_54 : i32
      %parallel_loop3A_56 = vector.broadcast %parallel_loop3A_55 : i32 to vector<16xi32>
      %parallel_loop3A_57 = arith.addi %iota3A, %parallel_loop3A_56 : vector<16xi32>
      %parallel_loop3A_58 = arith.constant 0 : i32
      %parallel_loop3A_59 = vector.broadcast %parallel_loop3A_58 : i32 to vector<16xi32>
      %parallel_loop3A_60 = vector.broadcast %parallel_loop3A_32 : i32 to vector<16xi32>
      %parallel_loop3A_61 = arith.addi %parallel_loop3A_59, %parallel_loop3A_60 : vector<16xi32>
      tpu.vector_store_idx %arg7[%parallel_loop3A_57, %parallel_loop3A_61], %parallel_loop3A_53 : memref<32x16xf32, #tpu.memory_space<vmem>>[vector<16xi32>, vector<16xi32>], vector<16xf32>,
    } {sc.loop_unroll_factor = 2 : i64, sc.parallel_access}
    %parallel_loop3A_5 = arith.constant 0 : i32
    %parallel_loop3A_6 = arith.constant 8 : i32
    %parallel_loop3A_7 = arith.constant 1 : i32
    scf.for %parallel_loop3A_8 = %parallel_loop3A_5 to %parallel_loop3A_6 step %parallel_loop3A_7  : i32 {
      %parallel_loop3A_9 = arith.constant 64 : i32
      %parallel_loop3A_10 = arith.muli %parallel_loop3A_8, %parallel_loop3A_9 : i32
      %parallel_loop3A_11 = arith.constant 0 : i32
      %parallel_loop3A_12 = arith.addi %parallel_loop3A_10, %parallel_loop3A_11 : i32
      %parallel_loop3A_13 = arith.index_cast %parallel_loop3A_12 : i32 to index
      %parallel_loop3A_14 = tpu.vector_load %arg5[%parallel_loop3A_13] {strides = array<i32>} : memref<512xi32, #tpu.memory_space<vmem>>, vector<16xi32>,
      %parallel_loop3A_15 = arith.constant 64 : i32
      %parallel_loop3A_16 = arith.muli %parallel_loop3A_8, %parallel_loop3A_15 : i32
      %parallel_loop3A_17 = arith.constant 16 : i32
      %parallel_loop3A_18 = arith.addi %parallel_loop3A_16, %parallel_loop3A_17 : i32
      %parallel_loop3A_19 = arith.index_cast %parallel_loop3A_18 : i32 to index
      %parallel_loop3A_20 = tpu.vector_load %arg5[%parallel_loop3A_19] {strides = array<i32>} : memref<512xi32, #tpu.memory_space<vmem>>, vector<16xi32>,
      %parallel_loop3A_21 = arith.constant 64 : i32
      %parallel_loop3A_22 = arith.muli %parallel_loop3A_8, %parallel_loop3A_21 : i32
      %parallel_loop3A_23 = arith.constant 32 : i32
      %parallel_loop3A_24 = arith.addi %parallel_loop3A_22, %parallel_loop3A_23 : i32
      %parallel_loop3A_25 = arith.index_cast %parallel_loop3A_24 : i32 to index
      %parallel_loop3A_26 = tpu.vector_load %arg5[%parallel_loop3A_25] {strides = array<i32>} : memref<512xi32, #tpu.memory_space<vmem>>, vector<16xi32>,
      %parallel_loop3A_27 = arith.constant 64 : i32
      %parallel_loop3A_28 = arith.muli %parallel_loop3A_8, %parallel_loop3A_27 : i32
      %parallel_loop3A_29 = arith.constant 48 : i32
      %parallel_loop3A_30 = arith.addi %parallel_loop3A_28, %parallel_loop3A_29 : i32
      %parallel_loop3A_31 = arith.index_cast %parallel_loop3A_30 : i32 to index
      %parallel_loop3A_32 = tpu.vector_load %arg5[%parallel_loop3A_31] {strides = array<i32>} : memref<512xi32, #tpu.memory_space<vmem>>, vector<16xi32>,
      %parallel_loop3A_33 = arith.constant 0 : i32
      %parallel_loop3A_34 = arith.constant 32 : i32
      %parallel_loop3A_35 = arith.constant 1 : i32
      scf.for %parallel_loop3A_36 = %parallel_loop3A_33 to %parallel_loop3A_34 step %parallel_loop3A_35  : i32 {
        %parallel_loop3A_37 = arith.index_cast %parallel_loop3A_36 : i32 to index
        %parallel_loop3A_38 = arith.constant 0 : index
        %parallel_loop3A_39 = tpu.vector_load %arg7[%parallel_loop3A_37, %parallel_loop3A_38] {strides = array<i32>} : memref<32x16xf32, #tpu.memory_space<vmem>>, vector<16xf32>,
        %parallel_loop3A_40 = arith.constant 0 : i32
        %parallel_loop3A_41 = vector.broadcast %parallel_loop3A_40 : i32 to vector<16xi32>
        %parallel_loop3A_42 = arith.cmpi slt, %parallel_loop3A_14, %parallel_loop3A_41 : vector<16xi32>
        %parallel_loop3A_43 = arith.constant 16 : i32
        %parallel_loop3A_44 = vector.broadcast %parallel_loop3A_43 : i32 to vector<16xi32>
        %parallel_loop3A_45 = arith.addi %parallel_loop3A_14, %parallel_loop3A_44 : vector<16xi32>
        %parallel_loop3A_46 = arith.select %parallel_loop3A_42, %parallel_loop3A_45, %parallel_loop3A_14 : vector<16xi1>, vector<16xi32>
        %parallel_loop3A_47 = vector.shape_cast %parallel_loop3A_46 : vector<16xi32> to vector<16x1xi32>
        %parallel_loop3A_48 = vector.shape_cast %parallel_loop3A_47 : vector<16x1xi32> to vector<16xi32>
        %parallel_loop3A_49 = tpu.dynamic_gather %parallel_loop3A_39[%parallel_loop3A_48] in [0] : vector<16xf32>, vector<16xi32> -> vector<16xf32>
        %parallel_loop3A_50 = arith.constant 64 : i32
        %parallel_loop3A_51 = arith.muli %parallel_loop3A_8, %parallel_loop3A_50 : i32
        %parallel_loop3A_52 = arith.constant 0 : i32
        %parallel_loop3A_53 = arith.addi %parallel_loop3A_51, %parallel_loop3A_52 : i32
        %parallel_loop3A_54 = arith.index_cast %parallel_loop3A_36 : i32 to index
        %parallel_loop3A_55 = arith.index_cast %parallel_loop3A_53 : i32 to index
        %parallel_loop3A_56 = tpu.vector_load %arg8[%parallel_loop3A_54, %parallel_loop3A_55] {strides = array<i32>} : memref<32x512xf32, #tpu.memory_space<vmem>>, vector<16xf32>,
        tpu.vector_store %arg8[%parallel_loop3A_54, %parallel_loop3A_55], %parallel_loop3A_49 {strides = array<i32>} : memref<32x512xf32, #tpu.memory_space<vmem>>, vector<16xf32>,
        %parallel_loop3A_57 = arith.constant 0 : i32
        %parallel_loop3A_58 = vector.broadcast %parallel_loop3A_57 : i32 to vector<16xi32>
        %parallel_loop3A_59 = arith.cmpi slt, %parallel_loop3A_20, %parallel_loop3A_58 : vector<16xi32>
        %parallel_loop3A_60 = arith.constant 16 : i32
        %parallel_loop3A_61 = vector.broadcast %parallel_loop3A_60 : i32 to vector<16xi32>
        %parallel_loop3A_62 = arith.addi %parallel_loop3A_20, %parallel_loop3A_61 : vector<16xi32>
        %parallel_loop3A_63 = arith.select %parallel_loop3A_59, %parallel_loop3A_62, %parallel_loop3A_20 : vector<16xi1>, vector<16xi32>
        %parallel_loop3A_64 = vector.shape_cast %parallel_loop3A_63 : vector<16xi32> to vector<16x1xi32>
        %parallel_loop3A_65 = vector.shape_cast %parallel_loop3A_64 : vector<16x1xi32> to vector<16xi32>
        %parallel_loop3A_66 = tpu.dynamic_gather %parallel_loop3A_39[%parallel_loop3A_65] in [0] : vector<16xf32>, vector<16xi32> -> vector<16xf32>
        %parallel_loop3A_67 = arith.constant 64 : i32
        %parallel_loop3A_68 = arith.muli %parallel_loop3A_8, %parallel_loop3A_67 : i32
        %parallel_loop3A_69 = arith.constant 16 : i32
        %parallel_loop3A_70 = arith.addi %parallel_loop3A_68, %parallel_loop3A_69 : i32
        %parallel_loop3A_71 = arith.index_cast %parallel_loop3A_36 : i32 to index
        %parallel_loop3A_72 = arith.index_cast %parallel_loop3A_70 : i32 to index
        %parallel_loop3A_73 = tpu.vector_load %arg8[%parallel_loop3A_71, %parallel_loop3A_72] {strides = array<i32>} : memref<32x512xf32, #tpu.memory_space<vmem>>, vector<16xf32>,
        tpu.vector_store %arg8[%parallel_loop3A_71, %parallel_loop3A_72], %parallel_loop3A_66 {strides = array<i32>} : memref<32x512xf32, #tpu.memory_space<vmem>>, vector<16xf32>,
        %parallel_loop3A_74 = arith.constant 0 : i32
        %parallel_loop3A_75 = vector.broadcast %parallel_loop3A_74 : i32 to vector<16xi32>
        %parallel_loop3A_76 = arith.cmpi slt, %parallel_loop3A_26, %parallel_loop3A_75 : vector<16xi32>
        %parallel_loop3A_77 = arith.constant 16 : i32
        %parallel_loop3A_78 = vector.broadcast %parallel_loop3A_77 : i32 to vector<16xi32>
        %parallel_loop3A_79 = arith.addi %parallel_loop3A_26, %parallel_loop3A_78 : vector<16xi32>
        %parallel_loop3A_80 = arith.select %parallel_loop3A_76, %parallel_loop3A_79, %parallel_loop3A_26 : vector<16xi1>, vector<16xi32>
        %parallel_loop3A_81 = vector.shape_cast %parallel_loop3A_80 : vector<16xi32> to vector<16x1xi32>
        %parallel_loop3A_82 = vector.shape_cast %parallel_loop3A_81 : vector<16x1xi32> to vector<16xi32>
        %parallel_loop3A_83 = tpu.dynamic_gather %parallel_loop3A_39[%parallel_loop3A_82] in [0] : vector<16xf32>, vector<16xi32> -> vector<16xf32>
        %parallel_loop3A_84 = arith.constant 64 : i32
        %parallel_loop3A_85 = arith.muli %parallel_loop3A_8, %parallel_loop3A_84 : i32
        %parallel_loop3A_86 = arith.constant 32 : i32
        %parallel_loop3A_87 = arith.addi %parallel_loop3A_85, %parallel_loop3A_86 : i32
        %parallel_loop3A_88 = arith.index_cast %parallel_loop3A_36 : i32 to index
        %parallel_loop3A_89 = arith.index_cast %parallel_loop3A_87 : i32 to index
        %parallel_loop3A_90 = tpu.vector_load %arg8[%parallel_loop3A_88, %parallel_loop3A_89] {strides = array<i32>} : memref<32x512xf32, #tpu.memory_space<vmem>>, vector<16xf32>,
        tpu.vector_store %arg8[%parallel_loop3A_88, %parallel_loop3A_89], %parallel_loop3A_83 {strides = array<i32>} : memref<32x512xf32, #tpu.memory_space<vmem>>, vector<16xf32>,
        %parallel_loop3A_91 = arith.constant 0 : i32
        %parallel_loop3A_92 = vector.broadcast %parallel_loop3A_91 : i32 to vector<16xi32>
        %parallel_loop3A_93 = arith.cmpi slt, %parallel_loop3A_32, %parallel_loop3A_92 : vector<16xi32>
        %parallel_loop3A_94 = arith.constant 16 : i32
        %parallel_loop3A_95 = vector.broadcast %parallel_loop3A_94 : i32 to vector<16xi32>
        %parallel_loop3A_96 = arith.addi %parallel_loop3A_32, %parallel_loop3A_95 : vector<16xi32>
        %parallel_loop3A_97 = arith.select %parallel_loop3A_93, %parallel_loop3A_96, %parallel_loop3A_32 : vector<16xi1>, vector<16xi32>
        %parallel_loop3A_98 = vector.shape_cast %parallel_loop3A_97 : vector<16xi32> to vector<16x1xi32>
        %parallel_loop3A_99 = vector.shape_cast %parallel_loop3A_98 : vector<16x1xi32> to vector<16xi32>
        %parallel_loop3A_100 = tpu.dynamic_gather %parallel_loop3A_39[%parallel_loop3A_99] in [0] : vector<16xf32>, vector<16xi32> -> vector<16xf32>
        %parallel_loop3A_101 = arith.constant 64 : i32
        %parallel_loop3A_102 = arith.muli %parallel_loop3A_8, %parallel_loop3A_101 : i32
        %parallel_loop3A_103 = arith.constant 48 : i32
        %parallel_loop3A_104 = arith.addi %parallel_loop3A_102, %parallel_loop3A_103 : i32
        %parallel_loop3A_105 = arith.index_cast %parallel_loop3A_36 : i32 to index
        %parallel_loop3A_106 = arith.index_cast %parallel_loop3A_104 : i32 to index
        %parallel_loop3A_107 = tpu.vector_load %arg8[%parallel_loop3A_105, %parallel_loop3A_106] {strides = array<i32>} : memref<32x512xf32, #tpu.memory_space<vmem>>, vector<16xf32>,
        tpu.vector_store %arg8[%parallel_loop3A_105, %parallel_loop3A_106], %parallel_loop3A_100 {strides = array<i32>} : memref<32x512xf32, #tpu.memory_space<vmem>>, vector<16xf32>,
      } {sc.loop_unroll_factor = 4 : i64, sc.parallel_access}
    } {sc.loop_unroll_factor = 1 : i64, sc.parallel_access}
    "tpu.region"() ({
      %run_scoped3A = tpu.sem_alloc : memref<!tpu.dma_semaphore, #tpu.memory_space<semaphore_mem>>
      %dma_start3A = arith.constant 0 : i32
      %dma_start3A_8 = tpu.memref_slice %arg4[%dma_start3A, %mul3A_2] : memref<32x16384xf32, #tpu.memory_space<hbm>> -> memref<32x512xf32, #tpu.memory_space<hbm>>
      %dma_start3A_9 = arith.constant 0 : i32
      %dma_start3A_10 = tpu.memref_slice %arg4[%dma_start3A_9, %mul3A_2] : memref<32x16384xf32, #tpu.memory_space<hbm>> -> memref<32x512xf32, #tpu.memory_space<hbm>>
      tpu.enqueue_dma source(%arg8 : memref<32x512xf32, #tpu.memory_space<vmem>>) target(%dma_start3A_10 : memref<32x512xf32, #tpu.memory_space<hbm>>) target_semaphore(%run_scoped3A : memref<!tpu.dma_semaphore, #tpu.memory_space<semaphore_mem>>)
      %dma_wait3A = arith.constant 0 : i32
      %dma_wait3A_11 = tpu.memref_slice %arg4[%dma_wait3A, %mul3A_2] : memref<32x16384xf32, #tpu.memory_space<hbm>> -> memref<32x512xf32, #tpu.memory_space<hbm>>
      %dma_wait3A_12 = arith.constant 0 : i32
      %dma_wait3A_13 = tpu.memref_slice %arg4[%dma_wait3A_12, %mul3A_2] : memref<32x16384xf32, #tpu.memory_space<hbm>> -> memref<32x512xf32, #tpu.memory_space<hbm>>
      tpu.wait_dma2 semaphore(%run_scoped3A : memref<!tpu.dma_semaphore, #tpu.memory_space<semaphore_mem>>) src(%arg8 : memref<32x512xf32, #tpu.memory_space<vmem>>) dst(%dma_wait3A_13 : memref<32x512xf32, #tpu.memory_space<hbm>>)
      tpu.yield
    }) : () -> ()
    return
  }
}

</mosaic_0001>

<sc_bundles>
// kernel: kernel.3.cloned.1.call-start
scs
__scs_entry_jumppad:
0x0: {  	(pc) =	sbr.rel $0x88, $3  }
0x1: {  	(tag) =	ssettag $0x0;
	lr =	simm.s32 $0x1  }
0x2: {  	[smem:$0x3F9F] =	sst lr;
	_ =	strace $0xD0000000  }
0x3: {  	_ = 	snop  }
0x4: {  	_ = 	snop  }
0x5: {  	_ = 	snop  }
0x6: {  	_ = 	snop  }
0x7: {  	_ = 	snop  }
__scs_overlays_trampoline_lowered:
0x8: {  	[smem:$0x3FAE] =	sst s0  }
0x9: {  	[smem:$0x3FAF] =	sst s1  }
0xa: {  	[smem:$0x3FB0] =	sst s2  }
0xb: {  	[smem:$0x3FB1] =	sst s3  }
0xc: {  	[smem:$0x3FB2] =	sst s4  }
0xd: {  	[smem:$0x3FB3] =	sst s5  }
0xe: {  	[smem:$0x3FB4] =	sst s6  }
0xf: {  	[smem:$0x3FB5] =	sst s7  }
0x10: {  	[smem:$0x3FB6] =	sst s8  }
0x11: {  	[smem:$0x3FB7] =	sst s9;
	s0 =	simm.s32 @!p0 $0x0  }
0x12: {  	s1 =	sld [smem:$0x3F9D];
	s0 =	simm.s32 @p0 $0x1  }
0x13: {  	[smem:$0x3FB8] =	sst s0;
	s0 =	simm.s32 @!p1 $0x0  }
0x14: {  	s2 =	sld [smem:$0x3F9C];
	s0 =	simm.s32 @p1 $0x1  }
0x15: {  	[smem:$0x3FB9] =	sst s0;
	s0 =	simm.s32 @!p2 $0x0  }
0x16: {  	s3 =	sld [smem:$0x3FDB];
	s0 =	simm.s32 @p2 $0x1  }
0x17: {  	s4 =	simm.s32 $0x1BF5;
	[smem:$0x3FBB] =	sst s0  }
0x18: {  	s0 =	sld [smem:$0x3F9E];
	_ =	swait.ge [sflag:s4], $0x0  }
0x19: {  	s7 =	sld [smem:$0x3F9F]  }
0x1a: {  	s8 =	sadd.s32 $0xFFFFE003, lr  }
0x1b: {  	s9 =	sadd.s32 $0xFFFFFEF7, lr;
	s5 =	simm.s32 $0xFFFFFFFF;
	p2 =	slt.u32 s8, $0xFFFFF086  }
0x1c: {  	p1 =	slt.u32 s9, $0xF7A;
	s5 =	simm.s32 @!p2 $0x0  }
0x1d: {  	s5 =	simm.s32 @p1 $0x1;
	p0 =	seq.s32 s7, s2  }
0x1e: {  	s7 =	smul.u32 @!p0 $0xF7A, s2;
	p2 =	seq.s32 @!p0 s5, $0x0  }
0x1f: {  	s9 =	smul.u32 $0xF7A, s1;
	s8 =	simm.s32 @!p0 $0x1BF5;
	p2 =	por !p2, p0  }
0x20: {  	[sflag:s8] =	ssyncset.s32 @!p0 $0xFFFFF086;
	s6 =	sadd.s32 @!p0 s3, s7;
	s7 =	simm.s32 @!p0 $0x108  }
0x21: {  	s3 =	sadd.s32 s3, s9;
	s6 =	sadd.s32 @!p0 $0x88, s6;
	s7 =	simm.s32 @p2 $0x1082  }
0x22: {  	[simem:s7], [sflag:s8] =	dma.local @!p0 [hbm:s6], $0xF7A  }
0x23: {  	s9 =	sor.u32 $0xD0000000, s2;
	s6 =	simm.s32 $0x108;
	_ =	swait.ge @!p0 [sflag:s8], $0x0  }
0x24: {  	s3 =	sadd.s32 $0x88, s3;
	s6 =	simm.s32 @!p1 $0x1082;
	[sflag:s4] =	ssyncset.s32 $0xFFFFF086  }
0x25: {  	[simem:s6], [sflag:s4] =	dma.local [hbm:s3], $0xF7A  }
0x26: {  	[smem:$0x3F9F] =	sst s1;
	(tag) =	ssettag s2;
	_ =	strace s9  }
0x27: {  	s1 =	sld [smem:$0x3FAF]  }
0x28: {  	s2 =	sld [smem:$0x3FB0]  }
0x29: {  	s4 =	sld [smem:$0x3FB2]  }
0x2a: {  	p0 =	seq.s32 s5, $0x0;
	s5 =	sld [smem:$0x3FB3]  }
0x2b: {  	s6 =	sld [smem:$0x3FB4]  }
0x2c: {  	s7 =	sld [smem:$0x3FB5]  }
0x2d: {  	s3 =	simm.s32 $0x108;
	s8 =	sld [smem:$0x3FB6]  }
0x2e: {  	s3 =	simm.s32 @!p0 $0x1082;
	s9 =	sld [smem:$0x3FB7]  }
0x2f: {  	lr =	sadd.s32 s0, s3;
	s0 =	sld [smem:$0x3FAE]  }
0x30: {  	s3 =	sld [smem:$0x3FB1]  }
0x31: {  	[smem:$0x3FBA] =	sst s10  }
0x32: {  	s10 =	sld [smem:$0x3FB8];
	_ =	sdelay $0x3  }
0x33: {  	p0 =	seq.s32 s10, $0x1;
	s10 =	sld [smem:$0x3FBA];
	_ =	sdelay $0x3  }
0x34: {  	[smem:$0x3FBA] =	sst s10  }
0x35: {  	s10 =	sld [smem:$0x3FB9];
	_ =	sdelay $0x3  }
0x36: {  	p1 =	seq.s32 s10, $0x1;
	s10 =	sld [smem:$0x3FBA];
	_ =	sdelay $0x3  }
0x37: {  	[smem:$0x3FBA] =	sst s10  }
0x38: {  	s10 =	sld [smem:$0x3FBB]  }
0x39: {  	_ = 	snop;
	(pc) =	sbr.ind lr, $3  }
0x3a: {  	_ = 	snop  }
0x3b: {  	_ = 	snop  }
0x3c: {  	p2 =	seq.s32 s10, $0x1;
	s10 =	sld [smem:$0x3FBA]  }
0x3d: {  	_ =	shalt  }
0x3e: {  	_ =	shalt  }
0x3f: {  	_ =	shalt  }
0x40: {  	_ =	shalt  }
0x41: {  	_ =	shalt  }
0x42: {  	_ =	shalt  }
0x43: {  	_ =	shalt  }
0x44: {  	_ =	shalt  }
0x45: {  	_ =	shalt  }
0x46: {  	_ =	shalt  }
0x47: {  	_ =	shalt  }
0x48: {  	_ =	shalt  }
0x49: {  	_ =	shalt  }
0x4a: {  	_ =	shalt  }
0x4b: {  	_ =	shalt  }
0x4c: {  	_ =	shalt  }
0x4d: {  	_ =	shalt  }
0x4e: {  	_ =	shalt  }
0x4f: {  	_ =	shalt  }
0x50: {  	_ =	shalt  }
0x51: {  	_ =	shalt  }
0x52: {  	_ =	shalt  }
0x53: {  	_ =	shalt  }
0x54: {  	_ =	shalt  }
0x55: {  	_ =	shalt  }
0x56: {  	_ =	shalt  }
0x57: {  	_ =	shalt  }
0x58: {  	_ =	shalt  }
0x59: {  	_ =	shalt  }
0x5a: {  	_ =	shalt  }
0x5b: {  	_ =	shalt  }
0x5c: {  	_ =	shalt  }
0x5d: {  	_ =	shalt  }
0x5e: {  	_ =	shalt  }
0x5f: {  	_ =	shalt  }
0x60: {  	_ =	shalt  }
0x61: {  	_ =	shalt  }
0x62: {  	_ =	shalt  }
0x63: {  	_ =	shalt  }
0x64: {  	_ =	shalt  }
0x65: {  	_ =	shalt  }
0x66: {  	_ =	shalt  }
0x67: {  	_ =	shalt  }
0x68: {  	_ =	shalt  }
0x69: {  	_ =	shalt  }
0x6a: {  	_ =	shalt  }
0x6b: {  	_ =	shalt  }
0x6c: {  	_ =	shalt  }
0x6d: {  	_ =	shalt  }
0x6e: {  	_ =	shalt  }
0x6f: {  	_ =	shalt  }
0x70: {  	_ =	shalt  }
0x71: {  	_ =	shalt  }
0x72: {  	_ =	shalt  }
0x73: {  	_ =	shalt  }
0x74: {  	_ =	shalt  }
0x75: {  	_ =	shalt  }
0x76: {  	_ =	shalt  }
0x77: {  	_ =	shalt  }
0x78: {  	_ =	shalt  }
0x79: {  	_ =	shalt  }
0x7a: {  	_ =	shalt  }
0x7b: {  	_ =	shalt  }
0x7c: {  	_ =	shalt  }
0x7d: {  	_ =	shalt  }
0x7e: {  	_ =	shalt  }
0x7f: {  	_ =	shalt  }
0x80: {  	_ =	shalt  }
0x81: {  	_ =	shalt  }
0x82: {  	_ =	shalt  }
0x83: {  	_ =	shalt  }
0x84: {  	_ =	shalt  }
0x85: {  	_ =	shalt  }
0x86: {  	_ =	shalt  }
0x87: {  	_ =	shalt  }
.Lfunc_end0:
.L_simem_size_0:
called_computation_lowered:
.L_overlay_start_0:
0x88: {  	s2 =	sld [smem:$0x3FD9]  }
0x89: {  	s3 =	sld [smem:$0x3FFE];
	_ =	sdelay $0x1  }
0x8a: {  	s1 =	srdreg.scid  }
0x8b: {  	s0 =	sand.u32 $0x1, s1  }
0x8c: {  	s18 =	sshll.u32 s0, $0xA;
	s2 =	sadd.s32 s3, s2  }
0x8d: {  	s2 =	sadd.s32 s2, s18  }
0x8e: {  	[smem:$0x3FC6] =	sst s2  }
0x8f: {  	_ = 	snop  }
0x90: {  	s2 =	sld [smem:$0x3FC9]  }
0x91: {  	s19 =	sld [smem:$0x3FC8]  }
0x92: {  	s4 =	sld [smem:$0x3FD0];
	(tm) =	ssettm $0x1  }
0x93: {  	s5 =	sld [smem:$0x3FFB];
	_ =	sdelay $0x3  }
0x94: {  	_ =	strace s5  }
0x95: {  	s5 =	sld [smem:$0x3FFC];
	_ =	sdelay $0x3  }
0x96: {  	_ =	strace s5  }
0x97: {  	s5 =	sld [smem:$0x3FFD];
	_ =	sdelay $0x3  }
0x98: {  	_ =	strace s5  }
0x99: {  	_ =	strace $0x8FFFFFFF  }
0x9a: {  	s20 =	sld [smem:$0x3FDB];
	_ =	sdelay $0x1  }
0x9b: {  	s6 =	simm.s32 $_scs_section_size  }
0x9c: {  	s7 =	simm.s32 $_size__tile_overlayer_lowered;
	s8 =	simm.s32 $_tile_overlayer_lowered  }
0x9d: {  	s23 =	simm.s32 $0x1BFF;
	s22 =	sshll.u32 s8, $0x1;
	s5 =	sadd.s32 s6, s20  }
0x9e: {  	s9 =	simm.s32 $0x0;
	s21 =	sshll.u32 s7, $0x1;
	s7 =	sadd.s32 s22, s5  }
0x9f: {  	[timem:s9], [sflag:s23] =	dma.local [hbm:s7], s21  }
0xa0: {  	_ =	swait.ge [sflag:s23], s21  }
0xa1: {  	s6 =	ssub.s32 $0x0, s21;
	[sflag:s23] =	ssyncset.done $0x0  }
0xa2: {  	[sflag:s23] =	ssyncadd.s32 s6;
	_ =	sdelay $0x1  }
0xa3: {  	s24 =	simm.s32 $0x1B8B  }
0xa4: {  	_ =	swait.ge [sflag:s24], $0x1  }
0xa5: {  	[sflag:s24] =	ssyncset.done $0x0  }
0xa6: {  	s25 =	simm.s32 $0x1B8E;
	[sflag:s24] =	ssyncadd.s32 $0xFFFFFFFF  }
0xa7: {  	s26 =	simm.s32 $execute0_lowered;
	[smem:$0x3FD2] =	sst s25  }
0xa8: {  	s6 =	sshll.u32 s26, $0x1;
	_ =	strace $0x80000046;
	[dreg:$0x1] =	wrdreg $0xFFFFFFFF  }
0xa9: {  	s28 =	simm.s32 $_size_execute0_lowered;
	s5 =	sadd.s32 s5, s6;
	[dreg:$0x0] =	wrdreg $0x0  }
0xaa: {  	s6 =	sshll.u32 s28, $0x1;
	[dreg:$0x2] =	wrdreg s5  }
0xab: {  	[dreg:$0x3] =	wrdreg s6  }
0xac: {  	[dreg:$0x4] =	wrdreg $0xC0  }
0xad: {  	_ =	task [dreg:s9], $0x5FFFF  }
0xae: {  	[dreg:$0x1] =	wrdreg $0xFFFFFFFF  }
0xaf: {  	[dreg:$0x0] =	wrdreg $0x60  }
0xb0: {  	[dreg:$0x2] =	wrdreg s2  }
0xb1: {  	[dreg:$0x3] =	wrdreg s19  }
0xb2: {  	[dreg:$0x4] =	wrdreg s4  }
0xb3: {  	[dreg:$0x5] =	wrdreg $0x9  }
0xb4: {  	_ =	task.clear_ibuf [dreg:s9], $0x6FFFF;
	_ =	strace $0x90000046  }
0xb5: {  	s29 =	simm.s32 $0x9;
	_ =	strace $0x80000048  }
0xb6: {  	_ =	swait.ge [sflag:s29], $0x1  }
0xb7: {  	[sflag:s29] =	ssyncadd.s32 $0xFFFFFFFF  }
0xb8: {  	_ =	strace $0x90000048  }
0xb9: {  	_ =	sfence  }
0xba: {  	s30 =	sld [smem:$0x0];
	_ =	sdelay $0x2  }
0xbb: {  	s31 =	sshll.u32 s1, $0xD;
	s1 =	sshrl.u32 s1, $0x2  }
0xbc: {  	s3 =	sand.u32 $0x4000, s31;
	s1 =	sadd.s32 s1, s30  }
0xbd: {  	s0 =	sor.u32 s3, s0;
	s1 =	sshll.u32 s1, $0x11  }
0xbe: {  	s0 =	sor.u32 s1, s0  }
0xbf: {  	s0 =	sadd.s32 $0x8F2B, s0  }
0xc0: {  	[sflag:s0] =	ssyncadd.remote.s32 $0x1  }
0xc1: {  	_ =	sfence.sel $0xFFFF  }
0xc2: {  	[dreg:$0x0] =	wrdreg $0xFFFFFFFF;
	(pc) =	sbr.abs _section_cstart, $3  }
0xc3: {  	[dreg:$0x1] =	wrdreg $0xFFFFFFFF  }
0xc4: {  	_ =	task.clear_ibuf [dreg:s9], $0x2FFFF;
	_ =	strace $0x9FFFFFFF  }
0xc5: {  	(tm) =	ssettm $0x7FFFFFFF  }
tec
execute0_lowered:
.L_overlay_start_1:
0x0: {  	(tag) =	ssettag $0x1  }
0x1: {  	s4 =	rddreg [dreg:$0x0]  }
0x2: {  	s2 =	rddreg [dreg:$0x1];
	s0 =	srdreg.scid  }
0x3: {  	s5 =	rddreg [dreg:$0x2];
	s1 =	stileid.u32;
	s3 =	simm.s32 $0x0  }
0x4: {  	s10 =	simm.s32 $0x1000;
	s11 =	simm.s32 $0x20000;
	s12 =	simm.s32 $0x1A00  }
0x5: {  	s13 =	simm.s32 $0x0;
	s6 =	sand.u32 $0x1, s0;
	s0 =	rddreg [dreg:$0x3]  }
0x6: {  	s7 =	sshll.u32 s1, $0xA;
	[smem:$0x7FF] =	sst s3;
	s8 =	sshll.u32 s6, $0x9  }
0x7: {  	v0 =	vlaneseq.u32;
	s6 =	ssub.s32 $0x2, s6;
	_ =	strace $0x80000047;
	s7 =	sor.u32 s8, s7  }
0x8: {  	v0 =	vmul.u32 $0x80, v0;
	s31 =	sshrl.u32 s6, $0x1;
	s8 =	simm.s32 $0x200;
	s9 =	sshrl.u32 s7, $0x3  }
0x9: {  	s6 =	ssub.s32 s6, s31;
	s5 =	sadd.s32 s5, s7;
	s7 =	simm.s32 $0x1  }
0xa: {  	v1 =	vor.u32 $0x800, v0;
	s4 =	sadd.s32 s4, s9;
	s6 =	smax.u32 s6, $0x1;
	s9 =	simm.s32 $0xA00  }
.LBB2_1:
0xb: {  	[tilespmem:s3], [sflag:$0x1] =	stream.linear.gather [hbm4b:s4+s3], $0x200, $0x38;
	[tilespmem:$0x5A00] =	vst v63  }
0xc: {  	_ =	swait.ge [sflag:s7], $0x200  }
0xd: {  	[sflag:s7] =	ssyncset.done $0x0  }
0xe: {  	[sflag:s7] =	ssyncadd.s32 $0xFFFFFE00  }
0xf: {  	v2 =	vmov s3;
	[tilespmem:s8], [sflag:$0x1] =	stream.linear.gather [hbm4b:s2+s3], $0x480, $0x38;
	[tilespmem:$0x5A00] =	vst v63  }
0x10: {  	v2 =	vand.u32 $0x7F, v2;
	_ =	swait.ge [sflag:s7], $0x480  }
0x11: {  	v4 =	vbroadcast v2, $0x0;
	[sflag:s7] =	ssyncset.done $0x0  }
0x12: {  	s14 =	simm.s32 $0x1;
	s16 =	simm.s32 $0x210;
	[sflag:s7] =	ssyncadd.s32 $0xFFFFFB80  }
0x13: {  	v3 =	vmov s14;
	v5 =	vor.u32 v0, v4;
	v2 =	vld [tilespmem:s16+$0xFFFFFFF0]  }
0x14: {  	v6 =	vand.u32 $0x7F, v3;
	v4 =	vor.u32 v1, v4;
	v3 =	vld [tilespmem:s16+$0x0];
	_ =	sdelay $0x1  }
0x15: {  	s15 =	simm.s32 $0x2;
	v6 =	vbroadcast v6, $0x0;
	s16 =	simm.s32 $0x290  }
.LBB2_2:
0x16: {  	s15 =	sadd.s32 $0x2, s15  }
0x17: {  	[tilespmem:v5+s9+$0x0] =	vst.idx.msk $0xffff, v2;
	v2 =	vld [tilespmem:s16+$0xFFFFFFF0];
	p0 =	slt.u32 s15, $0x10  }
.Ltmp0:
0x18: {  	v5 =	vor.u32 v0, v6;
	[tilespmem:v4+s9+$0x0] =	vst.idx.msk $0xffff, v3;
	v4 =	vor.u32 v1, v6;
	v3 =	vld [tilespmem:s16+$0x0];
	(pc) =	sbr.rel @p0 .LBB2_2-.Ltmp0, $4  }
0x19: {  	s14 =	sadd.s32 $0x1, s14  }
0x1a: {  	v6 =	vmov s14  }
0x1b: {  	v6 =	vand.u32 $0x7F, v6  }
0x1c: {  	s16 =	sadd.s32 $0x80, s16;
	v6 =	vbroadcast v6, $0x0  }
0x1d: {  	_ = 	snop  }
0x1e: {  	v7 =	vld [tilespmem:s16+$0xFFFFFFF0];
	v8 =	vor.u32 v0, v6  }
0x1f: {  	v9 =	vld [tilespmem:s16+$0x0];
	v63 =	vor.u32 v1, v6;
	_ =	sdelay $0x1  }
0x20: {  	[tilespmem:v5+s9+$0x0] =	vst.idx.msk $0xffff, v2  }
0x21: {  	[tilespmem:v4+s9+$0x0] =	vst.idx.msk $0xffff, v3  }
0x22: {  	[tilespmem:v8+s9+$0x0] =	vst.idx.msk $0xffff, v7  }
0x23: {  	s14 =	simm.s32 $0x0;
	s15 =	simm.s32 $0x0;
	[tilespmem:v63+s9+$0x0] =	vst.idx.msk $0xffff, v9  }
.LBB2_4:
0x24: {  	s16 =	sshll.u32 s15, $0x6  }
0x25: {  	s17 =	sand.u32 $0x40, s16  }
0x26: {  	s23 =	simm.s32 $0x0;
	v2 =	vld [tilespmem:s16+$0x0];
	s16 =	sand.u32 $0x180, s16;
	s18 =	sor.u32 $0x10, s17  }
0x27: {  	v10 =	vld [tilespmem:s23+$0xB80];
	s20 =	sor.u32 $0x20, s17;
	s19 =	sor.u32 s18, s16  }
0x28: {  	s21 =	sor.u32 $0x30, s17;
	s22 =	sor.u32 s20, s16;
	v5 =	vld [tilespmem:s19+$0x0]  }
0x29: {  	s16 =	sor.u32 s21, s16;
	v8 =	vld [tilespmem:s22+$0x0]  }
0x2a: {  	v9 =	vld [tilespmem:s16+$0x0]  }
0x2b: {  	v3 =	vshrl.u32 v2, $0x1B  }
0x2c: {  	v3 =	vand.u32 $0x10, v3  }
0x2d: {  	s24 =	sshll.u32 s15, $0x9;
	v12 =	vld [tilespmem:s23+$0xA00];
	v3 =	vadd.s32 v2, v3;
	v2 =	vmov s17;
	v4 =	vshrl.u32 v5, $0x1B  }
0x2e: {  	s16 =	sand.u32 $0xC00, s24;
	v6 =	vand.u32 $0x10, v4;
	v4 =	vmov s18  }
0x2f: {  	s25 =	sand.u32 $0x3000, s14;
	v18 =	vld [tilespmem:s23+$0xB00];
	s16 =	sadd.s32 $0x1A00, s16;
	s17 =	simm.s32 $0x180;
	v11 =	vshrl.u32 v8, $0x1B;
	v13 =	vshrl.u32 v9, $0x1B;
	v14 =	vperm.xlane v10, v3  }
0x30: {  	s26 =	sadd.s32 s25, s16;
	s28 =	sand.u32 $0x380, s17;
	v11 =	vand.u32 $0x10, v11;
	v7 =	vadd.s32 v5, v6;
	v5 =	vmov s20  }
0x31: {  	s29 =	simm.s32 $0x0;
	v15 =	vld [tilespmem:s23+$0xA80];
	s18 =	sadd.s32 s28, s26;
	v8 =	vadd.s32 v8, v11;
	v11 =	vand.u32 $0x10, v13;
	v13 =	vperm.xlane v10, v7  }
0x32: {  	s19 =	sand.u32 $0x200, s29;
	v6 =	vmov s21;
	[tilespmem:v2+s18+$0x0 ss:$0x1] =	vst.idx.msk $0xffff, v14;
	v14 =	vperm.xlane v12, v3  }
0x33: {  	s22 =	sadd.s32 s19, s26;
	v9 =	vadd.s32 v9, v11;
	v11 =	vperm.xlane v10, v8;
	[tilespmem:v4+s18+$0x0 ss:$0x1] =	vst.idx.msk $0xffff, v13  }
0x34: {  	v16 =	vperm.xlane v12, v7;
	v17 =	vperm.xlane v18, v7;
	[tilespmem:v2+s22+$0x0 ss:$0x1] =	vst.idx.msk $0xffff, v14  }
0x35: {  	v10 =	vperm.xlane v10, v9;
	v19 =	vperm.xlane v12, v9;
	[tilespmem:v5+s18+$0x0 ss:$0x1] =	vst.idx.msk $0xffff, v11  }
0x36: {  	s30 =	simm.s32 $0x80;
	v13 =	vperm.xlane v15, v7;
	v11 =	vperm.xlane v12, v8;
	[tilespmem:v4+s22+$0x0 ss:$0x1] =	vst.idx.msk $0xffff, v16  }
0x37: {  	s31 =	simm.s32 $0x100;
	s19 =	sand.u32 $0x280, s30;
	v14 =	vperm.xlane v15, v8;
	v12 =	vperm.xlane v15, v3;
	[tilespmem:v6+s18+$0x0 ss:$0x1] =	vst.idx.msk $0xffff, v10  }
0x38: {  	s23 =	sand.u32 $0x300, s31;
	s21 =	sadd.s32 s19, s26;
	v15 =	vperm.xlane v15, v9;
	v16 =	vperm.xlane v18, v3;
	[tilespmem:v5+s22+$0x0 ss:$0x1] =	vst.idx.msk $0xffff, v11  }
0x39: {  	s19 =	sadd.s32 s23, s26;
	s20 =	simm.s32 $0x800;
	s18 =	simm.s32 $0x0;
	v10 =	vperm.xlane v18, v9;
	v11 =	vperm.xlane v18, v8;
	[tilespmem:v6+s22+$0x0 ss:$0x1] =	vst.idx.msk $0xffff, v19  }
.LBB2_5:
0x3a: {  	s22 =	sshra.s32 s20, $0x2;
	[tilespmem:v2+s21+$0x0 ss:$0x1] =	vst.idx.msk $0xffff, v12  }
0x3b: {  	v12 =	vld [tilespmem:s22+$0xB80];
	[tilespmem:v4+s21+$0x0 ss:$0x1] =	vst.idx.msk $0xffff, v13  }
0x3c: {  	v13 =	vld [tilespmem:s22+$0xA00];
	[tilespmem:v5+s21+$0x0 ss:$0x1] =	vst.idx.msk $0xffff, v14  }
0x3d: {  	s18 =	sadd.s32 $0x4, s18;
	v18 =	vld [tilespmem:s22+$0xA80];
	[tilespmem:v6+s21+$0x0 ss:$0x1] =	vst.idx.msk $0xffff, v15  }
0x3e: {  	p0 =	slt.u32 s18, $0x1C;
	v19 =	vld [tilespmem:s22+$0xB00];
	[tilespmem:v2+s19+$0x0 ss:$0x1] =	vst.idx.msk $0xffff, v16  }
0x3f: {  	s17 =	sadd.s32 $0x200, s17;
	s21 =	sand.u32 $0x3000, s20;
	[tilespmem:v4+s19+$0x0 ss:$0x1] =	vst.idx.msk $0xffff, v17  }
0x40: {  	s22 =	sadd.s32 $0xFFFFFE80, s17;
	s23 =	sadd.s32 s21, s16;
	s21 =	sand.u32 $0x380, s17;
	v14 =	vperm.xlane v12, v3;
	[tilespmem:v5+s19+$0x0 ss:$0x1] =	vst.idx.msk $0xffff, v11  }
0x41: {  	s24 =	sadd.s32 $0xFFFFFF00, s17;
	s25 =	sadd.s32 $0xFFFFFF80, s17;
	s26 =	sadd.s32 s21, s23;
	v15 =	vperm.xlane v12, v7;
	v11 =	vperm.xlane v13, v3;
	[tilespmem:v6+s19+$0x0 ss:$0x1] =	vst.idx.msk $0xffff, v10  }
0x42: {  	s21 =	sand.u32 $0x280, s24;
	s19 =	sand.u32 $0x200, s22;
	v10 =	vperm.xlane v13, v7;
	s22 =	sand.u32 $0x300, s25;
	[tilespmem:v2+s26+$0x0 ss:$0x1] =	vst.idx.msk $0xffff, v14;
	v14 =	vperm.xlane v12, v8  }
0x43: {  	s21 =	sadd.s32 s21, s23;
	v20 =	vperm.xlane v13, v8;
	s24 =	sadd.s32 s19, s23;
	s19 =	sadd.s32 s22, s23;
	[tilespmem:v4+s26+$0x0 ss:$0x1] =	vst.idx.msk $0xffff, v15;
	v15 =	vperm.xlane v12, v9  }
0x44: {  	v21 =	vperm.xlane v13, v9;
	v12 =	vperm.xlane v18, v3;
	[tilespmem:v5+s26+$0x0 ss:$0x1] =	vst.idx.msk $0xffff, v14  }
.Ltmp1:
0x45: {  	v13 =	vperm.xlane v18, v7;
	v14 =	vperm.xlane v18, v8;
	[tilespmem:v6+s26+$0x0 ss:$0x1] =	vst.idx.msk $0xffff, v15;
	(pc) =	sbr.rel @p0 .LBB2_5-.Ltmp1, $4  }
0x46: {  	v16 =	vperm.xlane v19, v3;
	v15 =	vperm.xlane v18, v9;
	[tilespmem:v2+s24+$0x0 ss:$0x1] =	vst.idx.msk $0xffff, v11  }
0x47: {  	v17 =	vperm.xlane v19, v7;
	v11 =	vperm.xlane v19, v8;
	[tilespmem:v4+s24+$0x0 ss:$0x1] =	vst.idx.msk $0xffff, v10  }
0x48: {  	v10 =	vperm.xlane v19, v9;
	[tilespmem:v5+s24+$0x0 ss:$0x1] =	vst.idx.msk $0xffff, v20  }
0x49: {  	s20 =	sadd.s32 $0x800, s20;
	[tilespmem:v6+s24+$0x0 ss:$0x1] =	vst.idx.msk $0xffff, v21  }
0x4a: {  	_ =	sdelay $0x3  }
0x4b: {  	[tilespmem:v2+s21+$0x0 ss:$0x1] =	vst.idx.msk $0xffff, v12  }
0x4c: {  	[tilespmem:v2+s19+$0x0 ss:$0x1] =	vst.idx.msk $0xffff, v16;
	s15 =	sadd.s32 $0x1, s15  }
0x4d: {  	[tilespmem:v4+s21+$0x0 ss:$0x1] =	vst.idx.msk $0xffff, v13;
	p0 =	sne.s32 s15, $0x8  }
.Ltmp2:
0x4e: {  	[tilespmem:v4+s19+$0x0 ss:$0x1] =	vst.idx.msk $0xffff, v17;
	(pc) =	sbr.rel @p0 .LBB2_4-.Ltmp2, $4  }
0x4f: {  	[tilespmem:v5+s21+$0x0 ss:$0x1] =	vst.idx.msk $0xffff, v14  }
0x50: {  	[tilespmem:v5+s19+$0x0 ss:$0x1] =	vst.idx.msk $0xffff, v11  }
0x51: {  	[tilespmem:v6+s21+$0x0 ss:$0x1] =	vst.idx.msk $0xffff, v15  }
0x52: {  	[tilespmem:v6+s19+$0x0 ss:$0x1] =	vst.idx.msk $0xffff, v10  }
0x53: {  	s13 =	sadd.s32 $0x1, s13  }
0x54: {  	p0 =	sne.s32 s13, s6  }
.Ltmp3:
0x55: {  	_ = 	snop;
	(pc) =	sbr.rel @p0 .LBB2_1-.Ltmp3, $4  }
0x56: {  	[hbm4b:s5+s10] =	stream.strided.scatter [tilespmem:s12], [sflag:$0x1], $0x4000, s11, s10, $0x38;
	[tilespmem:$0x5A00] =	vst v63  }
0x57: {  	_ =	swait.ge [sflag:s7], $0x4000  }
0x58: {  	[sflag:s7] =	ssyncset.done $0x0  }
0x59: {  	[sflag:s7] =	ssyncadd.s32 $0xFFFFC000  }
0x5a: {  	_ =	sfence.sel $0x180000  }
0x5b: {  	[bflag:$0x0] =	sbarrier.arrive $0xFFFF  }
0x5c: {  	p0 =	sne.s32 s1, $0x0;
	_ =	strace $0x90000047  }
0x5d: {  	s0 =	sadd.s32 @!p0 $0x100000, s0;
	[bflag:$0x2] =	sbarrier.arrive $0xFFFF  }
0x5e: {  	[sflag:s0] =	ssyncadd.tile.s32 @!p0 $0x1;
	_ =	shalt  }
.Lfunc_end2:
_tile_overlayer_lowered:
.L_overlay_start_2:
0x5f: {  	(tag) =	ssettag $0x2  }
0x60: {  	s0 =	rddreg [dreg:$0x0];
	s2 =	stileid.u32  }
0x61: {  	s1 =	rddreg [dreg:$0x1];
	p0 =	sne.s32 s2, $0x0  }
0x62: {  	s3 =	rddreg [dreg:$0x2];
	[bflag:$0x3] =	sbarrier.arrive $0xFFFF;
	s2 =	simm.s32 @!p0 $0x1C01  }
0x63: {  	[timem:s3], [sflag:s2] =	dma.local @!p0 [hbm:s0], s1  }
0x64: {  	s0 =	simm.s32 @!p0 $0x1  }
0x65: {  	_ =	swait.ge @!p0 [sflag:s0], s1  }
0x66: {  	s1 =	ssub.s32 @!p0 $0x0, s1;
	[sflag:s0] =	ssyncset.done @!p0 $0x0  }
0x67: {  	[sflag:s0] =	ssyncadd.s32 @!p0 s1  }
0x68: {  	[bflag:$0x3] =	sbarrier.arrive $0xFFFF  }
0x69: {  	_ =	shalt  }

</sc_bundles>
